<compile_context>
chip_gen: v7x
topology: tpu7x:2x2x1
jax: 0.10.2.dev20260603
libtpu: 0.0.44.dev20260713+nightly
codegen_flags: <defaults>
</compile_context>

<pallas_src>
import functools

import jax
import jax.numpy as jnp
from jax import lax
from jax.experimental import pallas as pl
from jax.experimental.pallas import tpu as pltpu
from jax.experimental.pallas import tpu_sc as plsc

_TB = 1024


def _logits_tc_body(x_ref, w_ref, out_ref, out_t_ref):
    x = x_ref[...]
    w = w_ref[...]
    logits = lax.dot_general(x, w, (((1,), (1,)), ((), ())),
                             preferred_element_type=jnp.float32)
    out_ref[...] = logits
    out_t_ref[...] = logits.T


def _make_sc_router(T, E):
    info = plsc.get_sparse_core_info()
    NC, NS, L = info.num_cores, info.num_subcores, info.num_lanes
    NW = NC * NS
    TW = T // NW
    mesh = plsc.VectorSubcoreMesh(core_axis_name="c", subcore_axis_name="s")

    @functools.partial(
        pl.kernel, mesh=mesh,
        out_type=[jax.ShapeDtypeStruct((T,), jnp.int32),
                  jax.ShapeDtypeStruct((T,), jnp.float32)],
        scratch_types=[pltpu.VMEM((E, TW), jnp.float32),
                       pltpu.VMEM((TW,), jnp.int32),
                       pltpu.VMEM((TW,), jnp.float32)],
    )
    def sc_router(logits_t_hbm, sel_hbm, wgt_hbm, lbuf, selbuf, wgtbuf):
        wid = lax.axis_index("s") * NC + lax.axis_index("c")
        base = wid * TW
        pltpu.sync_copy(logits_t_hbm.at[:, pl.ds(base, TW)], lbuf)

        def body(g, carry):
            off = g * L
            maxv = lbuf[0, pl.ds(off, L)]
            idx = jnp.zeros((L,), jnp.int32)
            for e in range(1, E):
                v = lbuf[e, pl.ds(off, L)]
                pred = v > maxv
                idx = jnp.where(pred, jnp.full((L,), e, jnp.int32), idx)
                maxv = jnp.where(pred, v, maxv)
            selbuf[pl.ds(off, L)] = idx
            wgtbuf[pl.ds(off, L)] = jnp.ones((L,), jnp.float32)
            return carry

        lax.fori_loop(0, TW // L, body, 0)
        pltpu.sync_copy(selbuf, sel_hbm.at[pl.ds(base, TW)])
        pltpu.sync_copy(wgtbuf, wgt_hbm.at[pl.ds(base, TW)])

    return sc_router


def kernel(hidden_states, W):
    B, S, H = hidden_states.shape
    E = W.shape[0]
    T = B * S
    x = hidden_states.reshape(T, H)
    grid = (T // _TB,)
    logits, logits_t = pl.pallas_call(
        _logits_tc_body,
        grid=grid,
        in_specs=[pl.BlockSpec((_TB, H), lambda i: (i, 0)),
                  pl.BlockSpec((E, H), lambda i: (0, 0))],
        out_specs=[pl.BlockSpec((_TB, E), lambda i: (i, 0)),
                   pl.BlockSpec((E, _TB), lambda i: (0, i))],
        out_shape=[jax.ShapeDtypeStruct((T, E), jnp.float32),
                   jax.ShapeDtypeStruct((E, T), jnp.float32)],
        compiler_params=pltpu.CompilerParams(
            dimension_semantics=("arbitrary",)),
    )(x, W)
    sel, wgt = _make_sc_router(T, E)(logits_t)
    return (logits.reshape(B, S, E), sel.reshape(B, S),
            wgt.reshape(B, S))

# --- scband reference (transcript-rebuilt; emitter-appended) ---
"""Pipeline reference for scband-top-krouter-17961553232607 (READ-ONLY COPY).

The authoritative reference and input builder live on the scoring server;
editing this copy changes nothing except your own understanding.
"""

import jax, jax.numpy as jnp
import numpy as np

B, S, H, E = 4, 4096, 2048, 8

def setup_inputs(seed: int = 0) -> dict:
    key = jax.random.key(seed)
    k1, k2 = jax.random.split(key)
    hidden_states = jax.random.normal(k1, (B, S, H), dtype=jnp.float32)
    # router weight: nn.Linear(hidden_size, num_experts, bias=False) -> [E, H]
    W = jax.random.normal(k2, (E, H), dtype=jnp.float32) * 0.01
    return {"hidden_states": hidden_states, "W": W}

def reference(hidden_states, W):
    # router_logits = Linear(hidden_states): [B, S, E]
    router_logits = jnp.einsum('bsh,eh->bse', hidden_states, W)
    # top-1 over experts
    expert_weights, selected_experts = jax.lax.top_k(router_logits, 1)
    # softmax over the k=1 dimension (degenerate, yields ones, but faithful)
    expert_weights = jax.nn.softmax(expert_weights, axis=-1)
    selected_experts = selected_experts[..., 0]
    expert_weights = expert_weights[..., 0]
    return (router_logits, selected_experts, expert_weights)

if __name__ == "__main__":
    import jax
    _d = setup_inputs()
    print(jax.jit(kernel)(*tuple(_d.values())))

</pallas_src>

<mosaic_0001>
#map = affine_map<(d0, d1) -> (0, 0)>
#map1 = affine_map<(d0, d1) -> (0)>
module attributes {stable_mosaic.version = 14 : i64} {
  func.func @sc_router(%arg0: i32, %arg1: i32, %arg2: memref<8x16384xf32, #tpu.memory_space<hbm>>, %arg3: memref<16384xi32, #tpu.memory_space<hbm>>, %arg4: memref<16384xf32, #tpu.memory_space<hbm>>, %arg5: memref<8x512xf32, #tpu.memory_space<vmem>>, %arg6: memref<512xi32, #tpu.memory_space<vmem>>, %arg7: memref<512xf32, #tpu.memory_space<vmem>>) attributes {dimension_semantics = [#tpu.dimension_semantics<core_parallel>, #tpu.dimension_semantics<subcore_parallel>], iteration_bounds = array<i64: 2, 16>, scalar_prefetch = 0 : i64, scratch_operands = 3 : i64, tpu.core_type = #tpu.core_type<sc_vector_subcore>, window_params = [{transform_indices = #map}, {transform_indices = #map1}, {transform_indices = #map1}]} {
    %mul3A = arith.constant 2 : i32
    %mul3A_0 = arith.muli %arg1, %mul3A : i32
    %add3A = arith.addi %mul3A_0, %arg0 : i32
    %mul3A_1 = arith.constant 512 : i32
    %mul3A_2 = arith.muli %add3A, %mul3A_1 : i32
    "tpu.region"() ({
      %run_scoped3A = tpu.sem_alloc : memref<!tpu.dma_semaphore, #tpu.memory_space<semaphore_mem>>
      %dma_start3A = arith.constant 0 : i32
      %dma_start3A_8 = tpu.memref_slice %arg2[%dma_start3A, %mul3A_2] : memref<8x16384xf32, #tpu.memory_space<hbm>> -> memref<8x512xf32, #tpu.memory_space<hbm>>
      %dma_start3A_9 = arith.constant 0 : i32
      %dma_start3A_10 = tpu.memref_slice %arg2[%dma_start3A_9, %mul3A_2] : memref<8x16384xf32, #tpu.memory_space<hbm>> -> memref<8x512xf32, #tpu.memory_space<hbm>>
      tpu.enqueue_dma source(%dma_start3A_10 : memref<8x512xf32, #tpu.memory_space<hbm>>) target(%arg5 : memref<8x512xf32, #tpu.memory_space<vmem>>) target_semaphore(%run_scoped3A : memref<!tpu.dma_semaphore, #tpu.memory_space<semaphore_mem>>)
      %dma_wait3A = arith.constant 0 : i32
      %dma_wait3A_11 = tpu.memref_slice %arg2[%dma_wait3A, %mul3A_2] : memref<8x16384xf32, #tpu.memory_space<hbm>> -> memref<8x512xf32, #tpu.memory_space<hbm>>
      %dma_wait3A_12 = arith.constant 0 : i32
      %dma_wait3A_13 = tpu.memref_slice %arg2[%dma_wait3A_12, %mul3A_2] : memref<8x16384xf32, #tpu.memory_space<hbm>> -> memref<8x512xf32, #tpu.memory_space<hbm>>
      tpu.wait_dma2 semaphore(%run_scoped3A : memref<!tpu.dma_semaphore, #tpu.memory_space<semaphore_mem>>) src(%dma_wait3A_13 : memref<8x512xf32, #tpu.memory_space<hbm>>) dst(%arg5 : memref<8x512xf32, #tpu.memory_space<vmem>>)
      tpu.yield
    }) : () -> ()
    %scan3A = arith.constant 0 : i32
    %scan3A_3 = arith.constant 0 : i32
    %scan3A_4 = arith.constant 32 : i32
    %scan3A_5 = arith.addi %scan3A_3, %scan3A_4 : i32
    %scan3A_6 = arith.constant 1 : i32
    scf.for %scan3A_8 = %scan3A_3 to %scan3A_5 step %scan3A_6  : i32 {
      %mul3A_9 = arith.constant 16 : i32
      %mul3A_10 = arith.muli %scan3A_8, %mul3A_9 : i32
      %get3A = arith.constant 0 : i32
      %get3A_11 = arith.index_cast %get3A : i32 to index
      %get3A_12 = arith.index_cast %mul3A_10 : i32 to index
      %get3A_13 = tpu.vector_load %arg5[%get3A_11, %get3A_12] {strides = array<i32>} : memref<8x512xf32, #tpu.memory_space<vmem>>, vector<1x16xf32>,
      %get3A_14 = vector.shape_cast %get3A_13 : vector<1x16xf32> to vector<16xf32>
      %broadcast_in_dim3A = arith.constant 0 : i32
      %broadcast_in_dim3A_15 = vector.broadcast %broadcast_in_dim3A : i32 to vector<16xi32>
      %get3A_16 = arith.constant 1 : i32
      %get3A_17 = arith.index_cast %get3A_16 : i32 to index
      %get3A_18 = arith.index_cast %mul3A_10 : i32 to index
      %get3A_19 = tpu.vector_load %arg5[%get3A_17, %get3A_18] {strides = array<i32>} : memref<8x512xf32, #tpu.memory_space<vmem>>, vector<1x16xf32>,
      %get3A_20 = vector.shape_cast %get3A_19 : vector<1x16xf32> to vector<16xf32>
      %gt3A = arith.cmpf ogt, %get3A_20, %get3A_14 : vector<16xf32>
      %broadcast_in_dim3A_21 = arith.constant 1 : i32
      %broadcast_in_dim3A_22 = vector.broadcast %broadcast_in_dim3A_21 : i32 to vector<16xi32>
      %select_n3A = arith.select %gt3A, %broadcast_in_dim3A_22, %broadcast_in_dim3A_15 : vector<16xi1>, vector<16xi32>
      %select_n3A_23 = arith.select %gt3A, %get3A_20, %get3A_14 : vector<16xi1>, vector<16xf32>
      %get3A_24 = arith.constant 2 : i32
      %get3A_25 = arith.index_cast %get3A_24 : i32 to index
      %get3A_26 = arith.index_cast %mul3A_10 : i32 to index
      %get3A_27 = tpu.vector_load %arg5[%get3A_25, %get3A_26] {strides = array<i32>} : memref<8x512xf32, #tpu.memory_space<vmem>>, vector<1x16xf32>,
      %get3A_28 = vector.shape_cast %get3A_27 : vector<1x16xf32> to vector<16xf32>
      %gt3A_29 = arith.cmpf ogt, %get3A_28, %select_n3A_23 : vector<16xf32>
      %broadcast_in_dim3A_30 = arith.constant 2 : i32
      %broadcast_in_dim3A_31 = vector.broadcast %broadcast_in_dim3A_30 : i32 to vector<16xi32>
      %select_n3A_32 = arith.select %gt3A_29, %broadcast_in_dim3A_31, %select_n3A : vector<16xi1>, vector<16xi32>
      %select_n3A_33 = arith.select %gt3A_29, %get3A_28, %select_n3A_23 : vector<16xi1>, vector<16xf32>
      %get3A_34 = arith.constant 3 : i32
      %get3A_35 = arith.index_cast %get3A_34 : i32 to index
      %get3A_36 = arith.index_cast %mul3A_10 : i32 to index
      %get3A_37 = tpu.vector_load %arg5[%get3A_35, %get3A_36] {strides = array<i32>} : memref<8x512xf32, #tpu.memory_space<vmem>>, vector<1x16xf32>,
      %get3A_38 = vector.shape_cast %get3A_37 : vector<1x16xf32> to vector<16xf32>
      %gt3A_39 = arith.cmpf ogt, %get3A_38, %select_n3A_33 : vector<16xf32>
      %broadcast_in_dim3A_40 = arith.constant 3 : i32
      %broadcast_in_dim3A_41 = vector.broadcast %broadcast_in_dim3A_40 : i32 to vector<16xi32>
      %select_n3A_42 = arith.select %gt3A_39, %broadcast_in_dim3A_41, %select_n3A_32 : vector<16xi1>, vector<16xi32>
      %select_n3A_43 = arith.select %gt3A_39, %get3A_38, %select_n3A_33 : vector<16xi1>, vector<16xf32>
      %get3A_44 = arith.constant 4 : i32
      %get3A_45 = arith.index_cast %get3A_44 : i32 to index
      %get3A_46 = arith.index_cast %mul3A_10 : i32 to index
      %get3A_47 = tpu.vector_load %arg5[%get3A_45, %get3A_46] {strides = array<i32>} : memref<8x512xf32, #tpu.memory_space<vmem>>, vector<1x16xf32>,
      %get3A_48 = vector.shape_cast %get3A_47 : vector<1x16xf32> to vector<16xf32>
      %gt3A_49 = arith.cmpf ogt, %get3A_48, %select_n3A_43 : vector<16xf32>
      %broadcast_in_dim3A_50 = arith.constant 4 : i32
      %broadcast_in_dim3A_51 = vector.broadcast %broadcast_in_dim3A_50 : i32 to vector<16xi32>
      %select_n3A_52 = arith.select %gt3A_49, %broadcast_in_dim3A_51, %select_n3A_42 : vector<16xi1>, vector<16xi32>
      %select_n3A_53 = arith.select %gt3A_49, %get3A_48, %select_n3A_43 : vector<16xi1>, vector<16xf32>
      %get3A_54 = arith.constant 5 : i32
      %get3A_55 = arith.index_cast %get3A_54 : i32 to index
      %get3A_56 = arith.index_cast %mul3A_10 : i32 to index
      %get3A_57 = tpu.vector_load %arg5[%get3A_55, %get3A_56] {strides = array<i32>} : memref<8x512xf32, #tpu.memory_space<vmem>>, vector<1x16xf32>,
      %get3A_58 = vector.shape_cast %get3A_57 : vector<1x16xf32> to vector<16xf32>
      %gt3A_59 = arith.cmpf ogt, %get3A_58, %select_n3A_53 : vector<16xf32>
      %broadcast_in_dim3A_60 = arith.constant 5 : i32
      %broadcast_in_dim3A_61 = vector.broadcast %broadcast_in_dim3A_60 : i32 to vector<16xi32>
      %select_n3A_62 = arith.select %gt3A_59, %broadcast_in_dim3A_61, %select_n3A_52 : vector<16xi1>, vector<16xi32>
      %select_n3A_63 = arith.select %gt3A_59, %get3A_58, %select_n3A_53 : vector<16xi1>, vector<16xf32>
      %get3A_64 = arith.constant 6 : i32
      %get3A_65 = arith.index_cast %get3A_64 : i32 to index
      %get3A_66 = arith.index_cast %mul3A_10 : i32 to index
      %get3A_67 = tpu.vector_load %arg5[%get3A_65, %get3A_66] {strides = array<i32>} : memref<8x512xf32, #tpu.memory_space<vmem>>, vector<1x16xf32>,
      %get3A_68 = vector.shape_cast %get3A_67 : vector<1x16xf32> to vector<16xf32>
      %gt3A_69 = arith.cmpf ogt, %get3A_68, %select_n3A_63 : vector<16xf32>
      %broadcast_in_dim3A_70 = arith.constant 6 : i32
      %broadcast_in_dim3A_71 = vector.broadcast %broadcast_in_dim3A_70 : i32 to vector<16xi32>
      %select_n3A_72 = arith.select %gt3A_69, %broadcast_in_dim3A_71, %select_n3A_62 : vector<16xi1>, vector<16xi32>
      %select_n3A_73 = arith.select %gt3A_69, %get3A_68, %select_n3A_63 : vector<16xi1>, vector<16xf32>
      %get3A_74 = arith.constant 7 : i32
      %get3A_75 = arith.index_cast %get3A_74 : i32 to index
      %get3A_76 = arith.index_cast %mul3A_10 : i32 to index
      %get3A_77 = tpu.vector_load %arg5[%get3A_75, %get3A_76] {strides = array<i32>} : memref<8x512xf32, #tpu.memory_space<vmem>>, vector<1x16xf32>,
      %get3A_78 = vector.shape_cast %get3A_77 : vector<1x16xf32> to vector<16xf32>
      %gt3A_79 = arith.cmpf ogt, %get3A_78, %select_n3A_73 : vector<16xf32>
      %broadcast_in_dim3A_80 = arith.constant 7 : i32
      %broadcast_in_dim3A_81 = vector.broadcast %broadcast_in_dim3A_80 : i32 to vector<16xi32>
      %select_n3A_82 = arith.select %gt3A_79, %broadcast_in_dim3A_81, %select_n3A_72 : vector<16xi1>, vector<16xi32>
      %select_n3A_83 = arith.select %gt3A_79, %get3A_78, %select_n3A_73 : vector<16xi1>, vector<16xf32>
      %swap3A = arith.index_cast %mul3A_10 : i32 to index
      %swap3A_84 = tpu.vector_load %arg6[%swap3A] {strides = array<i32>} : memref<512xi32, #tpu.memory_space<vmem>>, vector<16xi32>,
      %swap3A_85 = vector.shape_cast %swap3A_84 : vector<16xi32> to vector<16xi32>
      %swap3A_86 = vector.shape_cast %select_n3A_82 : vector<16xi32> to vector<16xi32>
      tpu.vector_store %arg6[%swap3A], %swap3A_86 {strides = array<i32>} : memref<512xi32, #tpu.memory_space<vmem>>, vector<16xi32>,
      %broadcast_in_dim3A_87 = arith.constant 1.000000e+00 : f32
      %broadcast_in_dim3A_88 = vector.broadcast %broadcast_in_dim3A_87 : f32 to vector<16xf32>
      %swap3A_89 = arith.index_cast %mul3A_10 : i32 to index
      %swap3A_90 = tpu.vector_load %arg7[%swap3A_89] {strides = array<i32>} : memref<512xf32, #tpu.memory_space<vmem>>, vector<16xf32>,
      %swap3A_91 = vector.shape_cast %swap3A_90 : vector<16xf32> to vector<16xf32>
      %swap3A_92 = vector.shape_cast %broadcast_in_dim3A_88 : vector<16xf32> to vector<16xf32>
      tpu.vector_store %arg7[%swap3A_89], %swap3A_92 {strides = array<i32>} : memref<512xf32, #tpu.memory_space<vmem>>, vector<16xf32>,
    }
    %scan3A_7 = arith.constant 32 : i32
    "tpu.region"() ({
      %run_scoped3A = tpu.sem_alloc : memref<!tpu.dma_semaphore, #tpu.memory_space<semaphore_mem>>
      %dma_start3A = tpu.memref_slice %arg3[%mul3A_2] : memref<16384xi32, #tpu.memory_space<hbm>> -> memref<512xi32, #tpu.memory_space<hbm>>
      %dma_start3A_8 = tpu.memref_slice %arg3[%mul3A_2] : memref<16384xi32, #tpu.memory_space<hbm>> -> memref<512xi32, #tpu.memory_space<hbm>>
      tpu.enqueue_dma source(%arg6 : memref<512xi32, #tpu.memory_space<vmem>>) target(%dma_start3A_8 : memref<512xi32, #tpu.memory_space<hbm>>) target_semaphore(%run_scoped3A : memref<!tpu.dma_semaphore, #tpu.memory_space<semaphore_mem>>)
      %dma_wait3A = tpu.memref_slice %arg3[%mul3A_2] : memref<16384xi32, #tpu.memory_space<hbm>> -> memref<512xi32, #tpu.memory_space<hbm>>
      %dma_wait3A_9 = tpu.memref_slice %arg3[%mul3A_2] : memref<16384xi32, #tpu.memory_space<hbm>> -> memref<512xi32, #tpu.memory_space<hbm>>
      tpu.wait_dma2 semaphore(%run_scoped3A : memref<!tpu.dma_semaphore, #tpu.memory_space<semaphore_mem>>) src(%arg6 : memref<512xi32, #tpu.memory_space<vmem>>) dst(%dma_wait3A_9 : memref<512xi32, #tpu.memory_space<hbm>>)
      tpu.yield
    }) : () -> ()
    "tpu.region"() ({
      %run_scoped3A = tpu.sem_alloc : memref<!tpu.dma_semaphore, #tpu.memory_space<semaphore_mem>>
      %dma_start3A = tpu.memref_slice %arg4[%mul3A_2] : memref<16384xf32, #tpu.memory_space<hbm>> -> memref<512xf32, #tpu.memory_space<hbm>>
      %dma_start3A_8 = tpu.memref_slice %arg4[%mul3A_2] : memref<16384xf32, #tpu.memory_space<hbm>> -> memref<512xf32, #tpu.memory_space<hbm>>
      tpu.enqueue_dma source(%arg7 : memref<512xf32, #tpu.memory_space<vmem>>) target(%dma_start3A_8 : memref<512xf32, #tpu.memory_space<hbm>>) target_semaphore(%run_scoped3A : memref<!tpu.dma_semaphore, #tpu.memory_space<semaphore_mem>>)
      %dma_wait3A = tpu.memref_slice %arg4[%mul3A_2] : memref<16384xf32, #tpu.memory_space<hbm>> -> memref<512xf32, #tpu.memory_space<hbm>>
      %dma_wait3A_9 = tpu.memref_slice %arg4[%mul3A_2] : memref<16384xf32, #tpu.memory_space<hbm>> -> memref<512xf32, #tpu.memory_space<hbm>>
      tpu.wait_dma2 semaphore(%run_scoped3A : memref<!tpu.dma_semaphore, #tpu.memory_space<semaphore_mem>>) src(%arg7 : memref<512xf32, #tpu.memory_space<vmem>>) dst(%dma_wait3A_9 : memref<512xf32, #tpu.memory_space<hbm>>)
      tpu.yield
    }) : () -> ()
    return
  }
}

module attributes {stable_mosaic.version = 14 : i64} {
  func.func @_logits_tc_body(%arg0: i32, %arg1: memref<1024x2048xf32, #tpu.memory_space<vmem>>, %arg2: memref<8x2048xf32, #tpu.memory_space<vmem>>, %arg3: memref<1024x8xf32, #tpu.memory_space<vmem>>, %arg4: memref<8x1024xf32, #tpu.memory_space<vmem>>) attributes {dimension_semantics = [#tpu.dimension_semantics<arbitrary>], iteration_bounds = array<i64: 16>, scalar_prefetch = 0 : i64, scratch_operands = 0 : i64, tpu.core_type = #tpu.core_type<tc>, window_params = [{transform_indices = @transform_0, window_bounds = array<i64: 1024, 2048>}, {pipeline_mode = #tpu.pipeline_mode<synchronous>, transform_indices = @transform_1, window_bounds = array<i64: 8, 2048>}, {transform_indices = @transform_2, window_bounds = array<i64: 1024, 8>}, {transform_indices = @transform_3, window_bounds = array<i64: 8, 1024>}]} {
    %get3A = arith.constant 0 : index
    %get3A_0 = arith.constant 0 : index
    %get3A_1 = vector.load %arg1[%get3A, %get3A_0] : memref<1024x2048xf32, #tpu.memory_space<vmem>>, vector<1024x2048xf32>
    %get3A_2 = arith.constant 0 : index
    %get3A_3 = arith.constant 0 : index
    %get3A_4 = vector.load %arg2[%get3A_2, %get3A_3] : memref<8x2048xf32, #tpu.memory_space<vmem>>, vector<8x2048xf32>
    %dot_general3A = arith.constant dense<0.000000e+00> : vector<1024x8xf32>
    %dot_general3A_5 = tpu.matmul %get3A_1, %get3A_4, %dot_general3A {dimension_numbers = #tpu.dot_dimension_numbers<[1], [1], [0], [0], [0, 0, 1, 0], [], []>, transpose_lhs_hint = false} : vector<1024x2048xf32>, vector<8x2048xf32>, vector<1024x8xf32> -> vector<1024x8xf32>
    %swap3A = arith.constant 0 : index
    %swap3A_6 = arith.constant 0 : index
    %swap3A_7 = vector.load %arg3[%swap3A, %swap3A_6] : memref<1024x8xf32, #tpu.memory_space<vmem>>, vector<1024x8xf32>
    tpu.vector_store %arg3[%swap3A, %swap3A_6], %dot_general3A_5 {strides = array<i32>} : memref<1024x8xf32, #tpu.memory_space<vmem>>, vector<1024x8xf32>,
    %transpose3A = tpu.transpose %dot_general3A_5, [1, 0] : vector<1024x8xf32> -> vector<8x1024xf32>
    %swap3A_8 = arith.constant 0 : index
    %swap3A_9 = arith.constant 0 : index
    %swap3A_10 = vector.load %arg4[%swap3A_8, %swap3A_9] : memref<8x1024xf32, #tpu.memory_space<vmem>>, vector<8x1024xf32>
    tpu.vector_store %arg4[%swap3A_8, %swap3A_9], %transpose3A {strides = array<i32>} : memref<8x1024xf32, #tpu.memory_space<vmem>>, vector<8x1024xf32>,
    return
  }
  func.func @transform_0(%arg0: i32) -> (i32, i32) {
    %c0_i32 = arith.constant 0 : i32
    %c0_i32_0 = arith.constant 0 : i32
    return %arg0, %c0_i32 : i32, i32
  }
  func.func @transform_1(%arg0: i32) -> (i32, i32) {
    %c0_i32 = arith.constant 0 : i32
    %c0_i32_0 = arith.constant 0 : i32
    %c0_i32_1 = arith.constant 0 : i32
    return %c0_i32, %c0_i32_0 : i32, i32
  }
  func.func @transform_2(%arg0: i32) -> (i32, i32) {
    %c0_i32 = arith.constant 0 : i32
    %c0_i32_0 = arith.constant 0 : i32
    return %arg0, %c0_i32 : i32, i32
  }
  func.func @transform_3(%arg0: i32) -> (i32, i32) {
    %c0_i32 = arith.constant 0 : i32
    %c0_i32_0 = arith.constant 0 : i32
    return %c0_i32, %arg0 : i32, i32
  }
}

</mosaic_0001>

<sc_bundles>
// kernel: kernel.4.cloned.1.call-start
scs
__scs_entry_jumppad:
0x0: {  	(pc) =	sbr.rel $0x88, $3  }
0x1: {  	(tag) =	ssettag $0x0;
	lr =	simm.s32 $0x1  }
0x2: {  	[smem:$0x3F9F] =	sst lr;
	_ =	strace $0xD0000000  }
0x3: {  	_ = 	snop  }
0x4: {  	_ = 	snop  }
0x5: {  	_ = 	snop  }
0x6: {  	_ = 	snop  }
0x7: {  	_ = 	snop  }
__scs_overlays_trampoline_lowered:
0x8: {  	[smem:$0x3FAE] =	sst s0  }
0x9: {  	[smem:$0x3FAF] =	sst s1  }
0xa: {  	[smem:$0x3FB0] =	sst s2  }
0xb: {  	[smem:$0x3FB1] =	sst s3  }
0xc: {  	[smem:$0x3FB2] =	sst s4  }
0xd: {  	[smem:$0x3FB3] =	sst s5  }
0xe: {  	[smem:$0x3FB4] =	sst s6  }
0xf: {  	[smem:$0x3FB5] =	sst s7  }
0x10: {  	[smem:$0x3FB6] =	sst s8  }
0x11: {  	[smem:$0x3FB7] =	sst s9;
	s0 =	simm.s32 @!p0 $0x0  }
0x12: {  	s1 =	sld [smem:$0x3F9D];
	s0 =	simm.s32 @p0 $0x1  }
0x13: {  	[smem:$0x3FB8] =	sst s0;
	s0 =	simm.s32 @!p1 $0x0  }
0x14: {  	s2 =	sld [smem:$0x3F9C];
	s0 =	simm.s32 @p1 $0x1  }
0x15: {  	[smem:$0x3FB9] =	sst s0;
	s0 =	simm.s32 @!p2 $0x0  }
0x16: {  	s3 =	sld [smem:$0x3FDB];
	s0 =	simm.s32 @p2 $0x1  }
0x17: {  	s4 =	simm.s32 $0x1BF5;
	[smem:$0x3FBB] =	sst s0  }
0x18: {  	s0 =	sld [smem:$0x3F9E];
	_ =	swait.ge [sflag:s4], $0x0  }
0x19: {  	s7 =	sld [smem:$0x3F9F]  }
0x1a: {  	s8 =	sadd.s32 $0xFFFFE003, lr  }
0x1b: {  	s9 =	sadd.s32 $0xFFFFFEF7, lr;
	s5 =	simm.s32 $0xFFFFFFFF;
	p2 =	slt.u32 s8, $0xFFFFF086  }
0x1c: {  	p1 =	slt.u32 s9, $0xF7A;
	s5 =	simm.s32 @!p2 $0x0  }
0x1d: {  	s5 =	simm.s32 @p1 $0x1;
	p0 =	seq.s32 s7, s2  }
0x1e: {  	s7 =	smul.u32 @!p0 $0xF7A, s2;
	p2 =	seq.s32 @!p0 s5, $0x0  }
0x1f: {  	s9 =	smul.u32 $0xF7A, s1;
	s8 =	simm.s32 @!p0 $0x1BF5;
	p2 =	por !p2, p0  }
0x20: {  	[sflag:s8] =	ssyncset.s32 @!p0 $0xFFFFF086;
	s6 =	sadd.s32 @!p0 s3, s7;
	s7 =	simm.s32 @!p0 $0x108  }
0x21: {  	s3 =	sadd.s32 s3, s9;
	s6 =	sadd.s32 @!p0 $0x88, s6;
	s7 =	simm.s32 @p2 $0x1082  }
0x22: {  	[simem:s7], [sflag:s8] =	dma.local @!p0 [hbm:s6], $0xF7A  }
0x23: {  	s9 =	sor.u32 $0xD0000000, s2;
	s6 =	simm.s32 $0x108;
	_ =	swait.ge @!p0 [sflag:s8], $0x0  }
0x24: {  	s3 =	sadd.s32 $0x88, s3;
	s6 =	simm.s32 @!p1 $0x1082;
	[sflag:s4] =	ssyncset.s32 $0xFFFFF086  }
0x25: {  	[simem:s6], [sflag:s4] =	dma.local [hbm:s3], $0xF7A  }
0x26: {  	[smem:$0x3F9F] =	sst s1;
	(tag) =	ssettag s2;
	_ =	strace s9  }
0x27: {  	s1 =	sld [smem:$0x3FAF]  }
0x28: {  	s2 =	sld [smem:$0x3FB0]  }
0x29: {  	s4 =	sld [smem:$0x3FB2]  }
0x2a: {  	p0 =	seq.s32 s5, $0x0;
	s5 =	sld [smem:$0x3FB3]  }
0x2b: {  	s6 =	sld [smem:$0x3FB4]  }
0x2c: {  	s7 =	sld [smem:$0x3FB5]  }
0x2d: {  	s3 =	simm.s32 $0x108;
	s8 =	sld [smem:$0x3FB6]  }
0x2e: {  	s3 =	simm.s32 @!p0 $0x1082;
	s9 =	sld [smem:$0x3FB7]  }
0x2f: {  	lr =	sadd.s32 s0, s3;
	s0 =	sld [smem:$0x3FAE]  }
0x30: {  	s3 =	sld [smem:$0x3FB1]  }
0x31: {  	[smem:$0x3FBA] =	sst s10  }
0x32: {  	s10 =	sld [smem:$0x3FB8];
	_ =	sdelay $0x3  }
0x33: {  	p0 =	seq.s32 s10, $0x1;
	s10 =	sld [smem:$0x3FBA];
	_ =	sdelay $0x3  }
0x34: {  	[smem:$0x3FBA] =	sst s10  }
0x35: {  	s10 =	sld [smem:$0x3FB9];
	_ =	sdelay $0x3  }
0x36: {  	p1 =	seq.s32 s10, $0x1;
	s10 =	sld [smem:$0x3FBA];
	_ =	sdelay $0x3  }
0x37: {  	[smem:$0x3FBA] =	sst s10  }
0x38: {  	s10 =	sld [smem:$0x3FBB]  }
0x39: {  	_ = 	snop;
	(pc) =	sbr.ind lr, $3  }
0x3a: {  	_ = 	snop  }
0x3b: {  	_ = 	snop  }
0x3c: {  	p2 =	seq.s32 s10, $0x1;
	s10 =	sld [smem:$0x3FBA]  }
0x3d: {  	_ =	shalt  }
0x3e: {  	_ =	shalt  }
0x3f: {  	_ =	shalt  }
0x40: {  	_ =	shalt  }
0x41: {  	_ =	shalt  }
0x42: {  	_ =	shalt  }
0x43: {  	_ =	shalt  }
0x44: {  	_ =	shalt  }
0x45: {  	_ =	shalt  }
0x46: {  	_ =	shalt  }
0x47: {  	_ =	shalt  }
0x48: {  	_ =	shalt  }
0x49: {  	_ =	shalt  }
0x4a: {  	_ =	shalt  }
0x4b: {  	_ =	shalt  }
0x4c: {  	_ =	shalt  }
0x4d: {  	_ =	shalt  }
0x4e: {  	_ =	shalt  }
0x4f: {  	_ =	shalt  }
0x50: {  	_ =	shalt  }
0x51: {  	_ =	shalt  }
0x52: {  	_ =	shalt  }
0x53: {  	_ =	shalt  }
0x54: {  	_ =	shalt  }
0x55: {  	_ =	shalt  }
0x56: {  	_ =	shalt  }
0x57: {  	_ =	shalt  }
0x58: {  	_ =	shalt  }
0x59: {  	_ =	shalt  }
0x5a: {  	_ =	shalt  }
0x5b: {  	_ =	shalt  }
0x5c: {  	_ =	shalt  }
0x5d: {  	_ =	shalt  }
0x5e: {  	_ =	shalt  }
0x5f: {  	_ =	shalt  }
0x60: {  	_ =	shalt  }
0x61: {  	_ =	shalt  }
0x62: {  	_ =	shalt  }
0x63: {  	_ =	shalt  }
0x64: {  	_ =	shalt  }
0x65: {  	_ =	shalt  }
0x66: {  	_ =	shalt  }
0x67: {  	_ =	shalt  }
0x68: {  	_ =	shalt  }
0x69: {  	_ =	shalt  }
0x6a: {  	_ =	shalt  }
0x6b: {  	_ =	shalt  }
0x6c: {  	_ =	shalt  }
0x6d: {  	_ =	shalt  }
0x6e: {  	_ =	shalt  }
0x6f: {  	_ =	shalt  }
0x70: {  	_ =	shalt  }
0x71: {  	_ =	shalt  }
0x72: {  	_ =	shalt  }
0x73: {  	_ =	shalt  }
0x74: {  	_ =	shalt  }
0x75: {  	_ =	shalt  }
0x76: {  	_ =	shalt  }
0x77: {  	_ =	shalt  }
0x78: {  	_ =	shalt  }
0x79: {  	_ =	shalt  }
0x7a: {  	_ =	shalt  }
0x7b: {  	_ =	shalt  }
0x7c: {  	_ =	shalt  }
0x7d: {  	_ =	shalt  }
0x7e: {  	_ =	shalt  }
0x7f: {  	_ =	shalt  }
0x80: {  	_ =	shalt  }
0x81: {  	_ =	shalt  }
0x82: {  	_ =	shalt  }
0x83: {  	_ =	shalt  }
0x84: {  	_ =	shalt  }
0x85: {  	_ =	shalt  }
0x86: {  	_ =	shalt  }
0x87: {  	_ =	shalt  }
.Lfunc_end0:
.L_simem_size_0:
called_computation_lowered:
.L_overlay_start_0:
0x88: {  	s2 =	sld [smem:$0x3FD9]  }
0x89: {  	s3 =	sld [smem:$0x3FFE];
	_ =	sdelay $0x1  }
0x8a: {  	s1 =	srdreg.scid  }
0x8b: {  	s0 =	sand.u32 $0x1, s1  }
0x8c: {  	s14 =	sshll.u32 s0, $0xA;
	s2 =	sadd.s32 s3, s2  }
0x8d: {  	s2 =	sadd.s32 s2, s14  }
0x8e: {  	[smem:$0x3FC6] =	sst s2  }
0x8f: {  	_ = 	snop  }
0x90: {  	s2 =	sld [smem:$0x3FD0];
	_ =	sdelay $0x2  }
0x91: {  	s15 =	simm.s32 $0xA;
	s4 =	simm.s32 $0x10  }
0x92: {  	[smem:s4], [sflag:s15] =	dma.local [hbm:s2], $0x1  }
0x93: {  	_ =	swait.eq [sflag:s15], $0x1  }
0x94: {  	[sflag:s15] =	ssyncset.done $0x0  }
0x95: {  	[sflag:s15] =	ssyncadd.s32 $0xFFFFFFFF  }
0x96: {  	s16 =	sld [smem:$0x12];
	(tm) =	ssettm $0x1  }
0x97: {  	s17 =	sld [smem:$0x3FFB];
	_ =	sdelay $0x3  }
0x98: {  	_ =	strace s17  }
0x99: {  	s3 =	sld [smem:$0x3FFC];
	_ =	sdelay $0x3  }
0x9a: {  	_ =	strace s3  }
0x9b: {  	s3 =	sld [smem:$0x3FFD];
	_ =	sdelay $0x3  }
0x9c: {  	_ =	strace s3  }
0x9d: {  	_ =	strace $0x8FFFFFFF  }
0x9e: {  	s18 =	sld [smem:$0x3FDB];
	_ =	sdelay $0x1  }
0x9f: {  	s19 =	simm.s32 $_scs_section_size  }
0xa0: {  	s5 =	simm.s32 $_size__tile_overlayer_lowered;
	s6 =	simm.s32 $_tile_overlayer_lowered  }
0xa1: {  	s22 =	simm.s32 $0x1BFF;
	s21 =	sshll.u32 s6, $0x1;
	s3 =	sadd.s32 s19, s18  }
0xa2: {  	s7 =	simm.s32 $0x0;
	s20 =	sshll.u32 s5, $0x1;
	s5 =	sadd.s32 s21, s3  }
0xa3: {  	[timem:s7], [sflag:s22] =	dma.local [hbm:s5], s20  }
0xa4: {  	_ =	swait.ge [sflag:s22], s20  }
0xa5: {  	s4 =	ssub.s32 $0x0, s20;
	[sflag:s22] =	ssyncset.done $0x0  }
0xa6: {  	[sflag:s22] =	ssyncadd.s32 s4;
	_ =	sdelay $0x1  }
0xa7: {  	s23 =	simm.s32 $0x1B8B  }
0xa8: {  	_ =	swait.ge [sflag:s23], $0x1  }
0xa9: {  	[sflag:s23] =	ssyncset.done $0x0  }
0xaa: {  	s25 =	simm.s32 $0x1B8E;
	s24 =	sld [smem:$0x3FFE];
	[sflag:s23] =	ssyncadd.s32 $0xFFFFFFFF  }
0xab: {  	s26 =	simm.s32 $execute0_lowered;
	[smem:$0x3FD2] =	sst s25  }
0xac: {  	s5 =	sshll.u32 s26, $0x1;
	_ =	strace $0x80000046;
	[dreg:$0x1] =	wrdreg $0xFFFFFFFF  }
0xad: {  	s28 =	simm.s32 $_size_execute0_lowered;
	s3 =	sadd.s32 s3, s5;
	[dreg:$0x0] =	wrdreg $0x0  }
0xae: {  	s5 =	sshll.u32 s28, $0x1;
	[dreg:$0x2] =	wrdreg s3  }
0xaf: {  	[dreg:$0x3] =	wrdreg s5  }
0xb0: {  	[dreg:$0x4] =	wrdreg $0xC0  }
0xb1: {  	_ =	task [dreg:s7], $0x5FFFF  }
0xb2: {  	[dreg:$0x1] =	wrdreg $0xFFFFFFFF  }
0xb3: {  	[dreg:$0x0] =	wrdreg $0x60  }
0xb4: {  	[dreg:$0x2] =	wrdreg s24  }
0xb5: {  	[dreg:$0x3] =	wrdreg s16  }
0xb6: {  	[dreg:$0x4] =	wrdreg $0x9  }
0xb7: {  	_ =	task.clear_ibuf [dreg:s7], $0x5FFFF;
	_ =	strace $0x90000046  }
0xb8: {  	s29 =	simm.s32 $0x9;
	_ =	strace $0x80000048  }
0xb9: {  	_ =	swait.ge [sflag:s29], $0x1  }
0xba: {  	[sflag:s29] =	ssyncadd.s32 $0xFFFFFFFF  }
0xbb: {  	_ =	strace $0x90000048  }
0xbc: {  	_ =	sfence  }
0xbd: {  	s30 =	sld [smem:$0x0];
	_ =	sdelay $0x2  }
0xbe: {  	s31 =	sshll.u32 s1, $0xD;
	s1 =	sshrl.u32 s1, $0x2  }
0xbf: {  	s3 =	sand.u32 $0x4000, s31;
	s1 =	sadd.s32 s1, s30  }
0xc0: {  	s0 =	sor.u32 s3, s0;
	s1 =	sshll.u32 s1, $0x11  }
0xc1: {  	s0 =	sor.u32 s1, s0  }
0xc2: {  	s0 =	sadd.s32 $0x8F2B, s0  }
0xc3: {  	[sflag:s0] =	ssyncadd.remote.s32 $0x1  }
0xc4: {  	_ =	sfence.sel $0xFFFF  }
0xc5: {  	[dreg:$0x0] =	wrdreg $0xFFFFFFFF;
	(pc) =	sbr.abs _section_cstart, $3  }
0xc6: {  	[dreg:$0x1] =	wrdreg $0xFFFFFFFF  }
0xc7: {  	_ =	task.clear_ibuf [dreg:s7], $0x2FFFF;
	_ =	strace $0x9FFFFFFF  }
0xc8: {  	(tm) =	ssettm $0x7FFFFFFF  }
0xc9: {  	_ =	shalt  }
tec
execute0_lowered:
.L_overlay_start_1:
0x0: {  	(tag) =	ssettag $0x1  }
0x1: {  	s3 =	rddreg [dreg:$0x0]  }
0x2: {  	s4 =	rddreg [dreg:$0x1];
	s2 =	srdreg.scid  }
0x3: {  	s0 =	rddreg [dreg:$0x2];
	s1 =	stileid.u32  }
0x4: {  	s10 =	simm.s32 $0x0;
	s5 =	sand.u32 $0x1, s2;
	s2 =	simm.s32 $0x0  }
0x5: {  	s6 =	sshll.u32 s1, $0xA;
	s7 =	sshll.u32 s5, $0x9;
	[smem:$0x7FF] =	sst s2  }
0x6: {  	s5 =	ssub.s32 $0x2, s5;
	s6 =	sor.u32 s7, s6;
	_ =	strace $0x80000047  }
0x7: {  	s31 =	sshrl.u32 s5, $0x1;
	s7 =	sshrl.u32 s6, $0x3;
	s6 =	sadd.s32 s6, s3  }
0x8: {  	s9 =	ssub.s32 s5, s31;
	s8 =	sadd.s32 s7, s3;
	s3 =	sadd.s32 $0xE00, s6  }
0x9: {  	s4 =	sadd.s32 s4, s7;
	s6 =	smax.u32 s9, $0x1;
	s7 =	simm.s32 $0x1  }
0xa: {  	v0 =	vimm.s32 $0x0;
	v1 =	vimm.f32 $1.000000000e+00;
	s9 =	simm.s32 $0x1200;
	s5 =	sadd.s32 $0x4E00, s8;
	s8 =	simm.s32 $0x1000  }
.LBB2_1:
0xb: {  	[tilespmem:s2], [sflag:$0x1] =	stream.linear.gather [hbm4b:s3+s2], $0x1000, $0x38;
	[tilespmem:$0x1400] =	vst v63  }
0xc: {  	_ =	swait.ge [sflag:s7], $0x1000  }
0xd: {  	s11 =	sand.u32 $0x70, s2;
	s12 =	sand.u32 $0xC00, s2;
	[sflag:s7] =	ssyncset.done $0x0  }
0xe: {  	s11 =	sor.u32 s11, s12;
	[sflag:s7] =	ssyncadd.s32 $0xFFFFF000  }
0xf: {  	v2 =	vld [tilespmem:s11+$0x80]  }
0x10: {  	v3 =	vld [tilespmem:s11+$0x0];
	_ =	sdelay $0x1  }
0x11: {  	v4 =	vld [tilespmem:s11+$0x100];
	_ =	sdelay $0x1  }
0x12: {  	v5 =	vld [tilespmem:s11+$0x180]  }
0x13: {  	vm0 =	vgt.f32 v2, v3  }
0x14: {  	v2 =	vsel vm0, v2, v3;
	v3 =	vld [tilespmem:s11+$0x200]  }
0x15: {  	vm1 =	vgt.f32 v4, v2  }
0x16: {  	v61 =	vld [tilespmem:s11+$0x280];
	v2 =	vsel vm1, v4, v2  }
0x17: {  	vm2 =	vgt.f32 v5, v2  }
0x18: {  	v62 =	vld [tilespmem:s11+$0x300];
	v2 =	vsel vm2, v5, v2  }
0x19: {  	vm3 =	vgt.f32 v3, v2  }
0x1a: {  	v6 =	vsel vm0, $0x1, v0;
	v2 =	vsel vm3, v3, v2;
	v3 =	vld [tilespmem:s11+$0x380]  }
0x1b: {  	v6 =	vsel vm1, $0x2, v6;
	vm13 =	vgt.f32 v61, v2  }
0x1c: {  	v6 =	vsel vm2, $0x3, v6;
	v2 =	vsel vm13, v61, v2  }
0x1d: {  	v63 =	vsel vm3, $0x4, v6;
	vm14 =	vgt.f32 v62, v2  }
0x1e: {  	v4 =	vsel vm13, $0x5, v63;
	v2 =	vsel vm14, v62, v2  }
0x1f: {  	v4 =	vsel vm14, $0x6, v4;
	vm15 =	vgt.f32 v3, v2  }
0x20: {  	s30 =	simm.s32 $0x10;
	s13 =	simm.s32 $0x80;
	v2 =	vsel vm15, $0x7, v4  }
0x21: {  	s31 =	sand.u32 $0xC00, s13;
	s11 =	sand.u32 $0x70, s30;
	[tilespmem:s8+$0x0] =	vst v2  }
0x22: {  	s15 =	sor.u32 s11, s31;
	[tilespmem:s9+$0x0] =	vst v1  }
0x23: {  	s14 =	simm.s32 $0x20;
	s12 =	simm.s32 $0x1000;
	s11 =	simm.s32 $0x1200;
	v2 =	vld [tilespmem:s15+$0x80]  }
.LBB2_2:
0x24: {  	p0 =	sne.s32 s14, $0x1F0;
	v3 =	vld [tilespmem:s15+$0x0];
	_ =	sdelay $0x1  }
0x25: {  	v4 =	vld [tilespmem:s15+$0x100];
	_ =	sdelay $0x1  }
0x26: {  	v5 =	vld [tilespmem:s15+$0x180]  }
0x27: {  	vm0 =	vgt.f32 v2, v3  }
0x28: {  	v2 =	vsel vm0, v2, v3;
	v3 =	vld [tilespmem:s15+$0x200]  }
0x29: {  	vm1 =	vgt.f32 v4, v2  }
0x2a: {  	v2 =	vsel vm1, v4, v2;
	v4 =	vld [tilespmem:s15+$0x280]  }
0x2b: {  	vm2 =	vgt.f32 v5, v2  }
0x2c: {  	v2 =	vsel vm2, v5, v2;
	v5 =	vld [tilespmem:s15+$0x300]  }
0x2d: {  	vm3 =	vgt.f32 v3, v2  }
0x2e: {  	v6 =	vsel vm0, $0x1, v0;
	v2 =	vsel vm3, v3, v2;
	v3 =	vld [tilespmem:s15+$0x380]  }
0x2f: {  	v6 =	vsel vm1, $0x2, v6;
	vm0 =	vgt.f32 v4, v2  }
0x30: {  	v6 =	vsel vm2, $0x3, v6;
	v2 =	vsel vm0, v4, v2  }
0x31: {  	v4 =	vsel vm3, $0x4, v6;
	vm1 =	vgt.f32 v5, v2  }
0x32: {  	v4 =	vsel vm0, $0x5, v4;
	v2 =	vsel vm1, v5, v2  }
.Ltmp0:
0x33: {  	v4 =	vsel vm1, $0x6, v4;
	vm0 =	vgt.f32 v3, v2;
	(pc) =	sbr.rel @p0 .LBB2_2-.Ltmp0, $4  }
0x34: {  	s13 =	sadd.s32 $0x80, s13;
	s12 =	sadd.s32 $0x10, s12;
	v2 =	vsel vm0, $0x7, v4  }
0x35: {  	s11 =	sadd.s32 $0x10, s11;
	s16 =	sand.u32 $0xC00, s13;
	s15 =	sand.u32 $0x70, s14;
	[tilespmem:s12+$0x0] =	vst v2  }
0x36: {  	s15 =	sor.u32 s15, s16;
	[tilespmem:s11+$0x0] =	vst v1  }
0x37: {  	s14 =	sadd.s32 $0x10, s14;
	v2 =	vld [tilespmem:s15+$0x80]  }
0x38: {  	v3 =	vld [tilespmem:s15+$0x0];
	_ =	sdelay $0x1  }
0x39: {  	v4 =	vld [tilespmem:s15+$0x100];
	_ =	sdelay $0x1  }
0x3a: {  	v5 =	vld [tilespmem:s15+$0x180]  }
0x3b: {  	vm0 =	vgt.f32 v2, v3  }
0x3c: {  	v2 =	vsel vm0, v2, v3;
	v3 =	vld [tilespmem:s15+$0x200]  }
0x3d: {  	vm1 =	vgt.f32 v4, v2  }
0x3e: {  	v61 =	vld [tilespmem:s15+$0x280];
	v2 =	vsel vm1, v4, v2  }
0x3f: {  	vm2 =	vgt.f32 v5, v2  }
0x40: {  	v62 =	vld [tilespmem:s15+$0x300];
	v2 =	vsel vm2, v5, v2  }
0x41: {  	vm3 =	vgt.f32 v3, v2  }
0x42: {  	v6 =	vsel vm0, $0x1, v0;
	v2 =	vsel vm3, v3, v2;
	v3 =	vld [tilespmem:s15+$0x380]  }
0x43: {  	v6 =	vsel vm1, $0x2, v6;
	vm13 =	vgt.f32 v61, v2  }
0x44: {  	v6 =	vsel vm2, $0x3, v6;
	v2 =	vsel vm13, v61, v2  }
0x45: {  	v63 =	vsel vm3, $0x4, v6;
	vm14 =	vgt.f32 v62, v2  }
0x46: {  	v4 =	vsel vm13, $0x5, v63;
	v2 =	vsel vm14, v62, v2  }
0x47: {  	v4 =	vsel vm14, $0x6, v4;
	vm15 =	vgt.f32 v3, v2  }
0x48: {  	s12 =	sadd.s32 $0x10, s12;
	v2 =	vsel vm15, $0x7, v4  }
0x49: {  	s11 =	sadd.s32 $0x10, s11;
	[tilespmem:s12+$0x0] =	vst v2  }
0x4a: {  	[tilespmem:s11+$0x0] =	vst v1  }
0x4b: {  	[hbm4b:s4+s2] =	stream.linear.scatter [tilespmem:s8], [sflag:$0x1], $0x200, $0x38;
	[tilespmem:$0x1400] =	vst v63  }
0x4c: {  	s10 =	sadd.s32 $0x1, s10;
	_ =	swait.ge [sflag:s7], $0x200  }
0x4d: {  	p0 =	sne.s32 s10, s6;
	[sflag:s7] =	ssyncset.done $0x0  }
.Ltmp1:
0x4e: {  	[sflag:s7] =	ssyncadd.s32 $0xFFFFFE00;
	(pc) =	sbr.rel @p0 .LBB2_1-.Ltmp1, $4  }
0x4f: {  	[hbm4b:s5+s2] =	stream.linear.scatter [tilespmem:s9], [sflag:$0x1], $0x200, $0x38;
	[tilespmem:$0x1400] =	vst v63  }
0x50: {  	_ =	swait.ge [sflag:s7], $0x200  }
0x51: {  	[sflag:s7] =	ssyncset.done $0x0  }
0x52: {  	[sflag:s7] =	ssyncadd.s32 $0xFFFFFE00  }
0x53: {  	_ =	sfence.sel $0x180000  }
0x54: {  	[bflag:$0x0] =	sbarrier.arrive $0xFFFF  }
0x55: {  	p0 =	sne.s32 s1, $0x0;
	_ =	strace $0x90000047  }
0x56: {  	s0 =	sadd.s32 @!p0 $0x100000, s0;
	[bflag:$0x2] =	sbarrier.arrive $0xFFFF  }
0x57: {  	[sflag:s0] =	ssyncadd.tile.s32 @!p0 $0x1;
	_ =	shalt  }
.Lfunc_end2:
_tile_overlayer_lowered:
.L_overlay_start_2:
0x58: {  	(tag) =	ssettag $0x2  }
0x59: {  	s0 =	rddreg [dreg:$0x0];
	s2 =	stileid.u32  }
0x5a: {  	s1 =	rddreg [dreg:$0x1];
	p0 =	sne.s32 s2, $0x0  }
0x5b: {  	s3 =	rddreg [dreg:$0x2];
	[bflag:$0x3] =	sbarrier.arrive $0xFFFF;
	s2 =	simm.s32 @!p0 $0x1C01  }
0x5c: {  	[timem:s3], [sflag:s2] =	dma.local @!p0 [hbm:s0], s1  }
0x5d: {  	s0 =	simm.s32 @!p0 $0x1  }
0x5e: {  	_ =	swait.ge @!p0 [sflag:s0], s1  }
0x5f: {  	s1 =	ssub.s32 @!p0 $0x0, s1;
	[sflag:s0] =	ssyncset.done @!p0 $0x0  }
0x60: {  	[sflag:s0] =	ssyncadd.s32 @!p0 s1  }
0x61: {  	[bflag:$0x3] =	sbarrier.arrive $0xFFFF  }
0x62: {  	_ =	shalt  }

</sc_bundles>
